<compile_context>
chip_gen: v7x
topology: tpu7x:2x2x1
jax: 0.10.2.dev20260603
libtpu: 0.0.44.dev20260713+nightly
codegen_flags: <defaults>
</compile_context>

<pallas_src>
import functools

import jax
import jax.numpy as jnp
from jax import lax
from jax.experimental import pallas as pl
from jax.experimental.pallas import tpu as pltpu
from jax.experimental.pallas import tpu_sc as plsc

N = 100000
NBINS = 10001
R = 10240
NC, NS, L = 2, 16, 16
NW = NC * NS
NBIG = 10
CHUNK_BIG = 196 * L
CHUNK_SMALL = 195 * L


def _sc_histogram(preds, targets):
    mesh = plsc.VectorSubcoreMesh(core_axis_name="c", subcore_axis_name="s")

    @functools.partial(
        pl.kernel,
        mesh=mesh,
        compiler_params=pltpu.CompilerParams(needs_layout_passes=False),
        out_type=jax.ShapeDtypeStruct((NW, R), jnp.int32),
        scratch_types=[
            pltpu.VMEM((CHUNK_BIG,), jnp.float32),
            pltpu.VMEM((CHUNK_BIG,), jnp.float32),
            pltpu.VMEM((R,), jnp.int32),
            pltpu.SemaphoreType.DMA,
            pltpu.SemaphoreType.DMA,
        ],
    )
    def k(preds_hbm, targs_hbm, out_hbm, p_v, t_v, hist_v, sem_p, sem_t):
        wid = lax.axis_index("s") * NC + lax.axis_index("c")
        is_big = wid < NBIG
        base = jnp.where(
            is_big,
            wid * CHUNK_BIG,
            NBIG * CHUNK_BIG + (wid - NBIG) * CHUNK_SMALL,
        )

        cp = pltpu.async_copy(
            preds_hbm.at[pl.ds(base, CHUNK_SMALL)],
            p_v.at[pl.ds(0, CHUNK_SMALL)],
            sem_p,
        )
        ct = pltpu.async_copy(
            targs_hbm.at[pl.ds(base, CHUNK_SMALL)],
            t_v.at[pl.ds(0, CHUNK_SMALL)],
            sem_t,
        )

        @pl.when(is_big)
        def _():
            tail = base + CHUNK_SMALL
            pltpu.sync_copy(
                preds_hbm.at[pl.ds(tail, L)], p_v.at[pl.ds(CHUNK_SMALL, L)]
            )
            pltpu.sync_copy(
                targs_hbm.at[pl.ds(tail, L)], t_v.at[pl.ds(CHUNK_SMALL, L)]
            )

        zeros = jnp.zeros((L,), jnp.int32)

        @plsc.parallel_loop(0, R // L, unroll=8)
        def _(i):
            hist_v[pl.ds(i * L, L)] = zeros

        cp.wait()
        ct.wait()

        tp_one = jnp.int32(1)
        fp_one = jnp.int32(65536)

        def scatter_one(i):
            off = i * L
            p = p_v[pl.ds(off, L)]
            t = t_v[pl.ds(off, L)]
            bin_ = jnp.bitwise_and(p.astype(jnp.int32), jnp.int32(8191))
            val = jnp.where(t < 0.5, fp_one, tp_one)
            plsc.addupdate_scatter(hist_v, [bin_], val)

        @plsc.parallel_loop(0, 195, unroll=13)
        def _(i):
            scatter_one(i)

        @pl.when(is_big)
        def _():
            scatter_one(jnp.int32(195))

        pltpu.sync_copy(hist_v, out_hbm.at[wid])

    return k(preds, targets)


def _tc_auc(hists):

    def body(h_ref, o_ref):
        h = h_ref[...]
        tp32 = jnp.bitwise_and(h, 65535)
        fp32 = jnp.right_shift(h, 16)
        tp = jnp.sum(tp32.astype(jnp.float32), axis=0).reshape(R // 128, 128)
        fp = jnp.sum(fp32.astype(jnp.float32), axis=0).reshape(R // 128, 128)
        nrow = R // 128

        ii = lax.broadcasted_iota(jnp.int32, (128, 128), 0)
        jj = lax.broadcasted_iota(jnp.int32, (128, 128), 1)
        upper = (ii >= jj).astype(jnp.float32)
        row_suffix = lax.dot_general(
            tp, upper, (((1,), (0,)), ((), ())),
            preferred_element_type=jnp.float32,
            precision=lax.Precision.HIGHEST,
        )
        row_tot = row_suffix[:, 0:1]

        ri = lax.broadcasted_iota(jnp.int32, (nrow, nrow), 0)
        rj = lax.broadcasted_iota(jnp.int32, (nrow, nrow), 1)
        strict = (ri > rj).astype(jnp.float32)
        carry = lax.dot_general(
            strict, row_tot, (((0,), (0,)), ((), ())),
            preferred_element_type=jnp.float32,
            precision=lax.Precision.HIGHEST,
        )
        suffix = row_suffix + carry

        tp_total = jnp.sum(tp)
        fp_total = jnp.sum(fp)
        integ = suffix - tp * 0.5
        auc = jnp.sum(fp * integ) / (tp_total * fp_total)
        o_ref[0, 0] = auc

    return pl.pallas_call(
        body,
        out_shape=jax.ShapeDtypeStruct((1, 1), jnp.float32),
        out_specs=pl.BlockSpec(memory_space=pltpu.SMEM),
    )(hists)


def kernel(preds, targets):
    hists = _sc_histogram(preds, targets)
    return hists[0, 0]

# --- scband reference (transcript-rebuilt; emitter-appended) ---
"""Pipeline reference for scband-auc-8134668058855 (READ-ONLY COPY).

The authoritative reference and input builder live on the scoring server;
editing this copy changes nothing except your own understanding.
"""

import jax, jax.numpy as jnp
import numpy as np

NBINS = 10001

def setup_inputs(seed: int = 0) -> dict:
    key = jax.random.key(seed)
    k1, k2 = jax.random.split(key)
    preds = jax.random.normal(k1, (100000,), dtype=jnp.float32)
    targets = jax.random.uniform(k2, (100000,), dtype=jnp.float32)
    return {"preds": preds, "targets": targets}

def _eval_auc(tp, fp):
    tp_total = jnp.sum(tp)
    fp_total = jnp.sum(fp)
    tp_reverse = tp[::-1]
    tp_reverse_cum = jnp.cumsum(tp_reverse) - tp_reverse / 2.0
    fp_reverse = fp[::-1]
    auc = jnp.sum((tp_reverse_cum / tp_total) * (fp_reverse / fp_total))
    return auc

def reference(preds, targets):
    # quantize sigmoid(preds) into 10001 bins
    y_pred = (10000.0 * jax.nn.sigmoid(preds)).reshape(-1).astype(jnp.int32)
    y_true = targets.reshape(-1)
    pos = (y_true >= 0.5).astype(jnp.float32)
    neg = 1.0 - pos
    # scatter-add: histogram of predicted bins split by label
    tpi = jnp.zeros((NBINS,), dtype=jnp.float32).at[y_pred].add(pos)
    fpi = jnp.zeros((NBINS,), dtype=jnp.float32).at[y_pred].add(neg)
    return _eval_auc(tpi, fpi)

if __name__ == "__main__":
    import jax
    _d = setup_inputs()
    print(jax.jit(kernel)(*tuple(_d.values())))

</pallas_src>

<mosaic_0001>
#map = affine_map<(d0, d1) -> (0)>
#map1 = affine_map<(d0, d1) -> (0, 0)>
module attributes {stable_mosaic.version = 14 : i64} {
  func.func @k(%arg0: i32, %arg1: i32, %arg2: memref<100000xf32, #tpu.memory_space<hbm>>, %arg3: memref<100000xf32, #tpu.memory_space<hbm>>, %arg4: memref<32x10240xi32, #tpu.memory_space<hbm>>, %arg5: memref<3136xf32, #tpu.memory_space<vmem>>, %arg6: memref<3136xf32, #tpu.memory_space<vmem>>, %arg7: memref<10240xi32, #tpu.memory_space<vmem>>, %arg8: memref<!tpu.dma_semaphore, #tpu.memory_space<semaphore_mem>>, %arg9: memref<!tpu.dma_semaphore, #tpu.memory_space<semaphore_mem>>) attributes {dimension_semantics = [#tpu.dimension_semantics<core_parallel>, #tpu.dimension_semantics<subcore_parallel>], iteration_bounds = array<i64: 2, 16>, scalar_prefetch = 0 : i64, scratch_operands = 5 : i64, tpu.core_type = #tpu.core_type<sc_vector_subcore>, window_params = [{transform_indices = #map}, {transform_indices = #map}, {transform_indices = #map1}]} {
    %mul3A = arith.constant 2 : i32
    %mul3A_0 = arith.muli %arg1, %mul3A : i32
    %add3A = arith.addi %mul3A_0, %arg0 : i32
    %lt3A = arith.constant 10 : i32
    %lt3A_1 = arith.cmpi slt, %add3A, %lt3A : i32
    %mul3A_2 = arith.constant 3136 : i32
    %mul3A_3 = arith.muli %add3A, %mul3A_2 : i32
    %sub3A = arith.constant 10 : i32
    %sub3A_4 = arith.subi %add3A, %sub3A : i32
    %mul3A_5 = arith.constant 3120 : i32
    %mul3A_6 = arith.muli %sub3A_4, %mul3A_5 : i32
    %add3A_7 = arith.constant 31360 : i32
    %add3A_8 = arith.addi %add3A_7, %mul3A_6 : i32
    %select_n3A = arith.select %lt3A_1, %mul3A_3, %add3A_8 : i32
    %dma_start3A = arith.constant 0 : i32
    %dma_start3A_9 = tpu.memref_slice %arg5[%dma_start3A] : memref<3136xf32, #tpu.memory_space<vmem>> -> memref<3120xf32, #tpu.memory_space<vmem>>
    %dma_start3A_10 = tpu.memref_slice %arg2[%select_n3A] : memref<100000xf32, #tpu.memory_space<hbm>> -> memref<3120xf32, #tpu.memory_space<hbm>>
    %dma_start3A_11 = arith.constant 0 : i32
    %dma_start3A_12 = tpu.memref_slice %arg5[%dma_start3A_11] : memref<3136xf32, #tpu.memory_space<vmem>> -> memref<3120xf32, #tpu.memory_space<vmem>>
    %dma_start3A_13 = tpu.memref_slice %arg2[%select_n3A] : memref<100000xf32, #tpu.memory_space<hbm>> -> memref<3120xf32, #tpu.memory_space<hbm>>
    tpu.enqueue_dma source(%dma_start3A_13 : memref<3120xf32, #tpu.memory_space<hbm>>) target(%dma_start3A_12 : memref<3120xf32, #tpu.memory_space<vmem>>) target_semaphore(%arg8 : memref<!tpu.dma_semaphore, #tpu.memory_space<semaphore_mem>>)
    %dma_start3A_14 = arith.constant 0 : i32
    %dma_start3A_15 = tpu.memref_slice %arg6[%dma_start3A_14] : memref<3136xf32, #tpu.memory_space<vmem>> -> memref<3120xf32, #tpu.memory_space<vmem>>
    %dma_start3A_16 = tpu.memref_slice %arg3[%select_n3A] : memref<100000xf32, #tpu.memory_space<hbm>> -> memref<3120xf32, #tpu.memory_space<hbm>>
    %dma_start3A_17 = arith.constant 0 : i32
    %dma_start3A_18 = tpu.memref_slice %arg6[%dma_start3A_17] : memref<3136xf32, #tpu.memory_space<vmem>> -> memref<3120xf32, #tpu.memory_space<vmem>>
    %dma_start3A_19 = tpu.memref_slice %arg3[%select_n3A] : memref<100000xf32, #tpu.memory_space<hbm>> -> memref<3120xf32, #tpu.memory_space<hbm>>
    tpu.enqueue_dma source(%dma_start3A_19 : memref<3120xf32, #tpu.memory_space<hbm>>) target(%dma_start3A_18 : memref<3120xf32, #tpu.memory_space<vmem>>) target_semaphore(%arg9 : memref<!tpu.dma_semaphore, #tpu.memory_space<semaphore_mem>>)
    %convert_element_type3A = arith.extui %lt3A_1 : i1 to i32
    %cond3A = arith.constant 0 : i32
    %cond3A_20 = arith.cmpi ne, %convert_element_type3A, %cond3A : i32
    scf.if %cond3A_20 {
      %add3A_45 = arith.constant 3120 : i32
      %add3A_46 = arith.addi %select_n3A, %add3A_45 : i32
      "tpu.region"() ({
        %run_scoped3A = tpu.sem_alloc : memref<!tpu.dma_semaphore, #tpu.memory_space<semaphore_mem>>
        %dma_start3A_47 = arith.constant 3120 : i32
        %dma_start3A_48 = tpu.memref_slice %arg5[%dma_start3A_47] : memref<3136xf32, #tpu.memory_space<vmem>> -> memref<16xf32, #tpu.memory_space<vmem>>
        %dma_start3A_49 = tpu.memref_slice %arg2[%add3A_46] : memref<100000xf32, #tpu.memory_space<hbm>> -> memref<16xf32, #tpu.memory_space<hbm>>
        %dma_start3A_50 = arith.constant 3120 : i32
        %dma_start3A_51 = tpu.memref_slice %arg5[%dma_start3A_50] : memref<3136xf32, #tpu.memory_space<vmem>> -> memref<16xf32, #tpu.memory_space<vmem>>
        %dma_start3A_52 = tpu.memref_slice %arg2[%add3A_46] : memref<100000xf32, #tpu.memory_space<hbm>> -> memref<16xf32, #tpu.memory_space<hbm>>
        tpu.enqueue_dma source(%dma_start3A_52 : memref<16xf32, #tpu.memory_space<hbm>>) target(%dma_start3A_51 : memref<16xf32, #tpu.memory_space<vmem>>) target_semaphore(%run_scoped3A : memref<!tpu.dma_semaphore, #tpu.memory_space<semaphore_mem>>)
        %dma_wait3A_53 = arith.constant 3120 : i32
        %dma_wait3A_54 = tpu.memref_slice %arg5[%dma_wait3A_53] : memref<3136xf32, #tpu.memory_space<vmem>> -> memref<16xf32, #tpu.memory_space<vmem>>
        %dma_wait3A_55 = tpu.memref_slice %arg2[%add3A_46] : memref<100000xf32, #tpu.memory_space<hbm>> -> memref<16xf32, #tpu.memory_space<hbm>>
        %dma_wait3A_56 = arith.constant 3120 : i32
        %dma_wait3A_57 = tpu.memref_slice %arg5[%dma_wait3A_56] : memref<3136xf32, #tpu.memory_space<vmem>> -> memref<16xf32, #tpu.memory_space<vmem>>
        %dma_wait3A_58 = tpu.memref_slice %arg2[%add3A_46] : memref<100000xf32, #tpu.memory_space<hbm>> -> memref<16xf32, #tpu.memory_space<hbm>>
        tpu.wait_dma2 semaphore(%run_scoped3A : memref<!tpu.dma_semaphore, #tpu.memory_space<semaphore_mem>>) src(%dma_wait3A_58 : memref<16xf32, #tpu.memory_space<hbm>>) dst(%dma_wait3A_57 : memref<16xf32, #tpu.memory_space<vmem>>)
        tpu.yield
      }) : () -> ()
      "tpu.region"() ({
        %run_scoped3A = tpu.sem_alloc : memref<!tpu.dma_semaphore, #tpu.memory_space<semaphore_mem>>
        %dma_start3A_47 = arith.constant 3120 : i32
        %dma_start3A_48 = tpu.memref_slice %arg6[%dma_start3A_47] : memref<3136xf32, #tpu.memory_space<vmem>> -> memref<16xf32, #tpu.memory_space<vmem>>
        %dma_start3A_49 = tpu.memref_slice %arg3[%add3A_46] : memref<100000xf32, #tpu.memory_space<hbm>> -> memref<16xf32, #tpu.memory_space<hbm>>
        %dma_start3A_50 = arith.constant 3120 : i32
        %dma_start3A_51 = tpu.memref_slice %arg6[%dma_start3A_50] : memref<3136xf32, #tpu.memory_space<vmem>> -> memref<16xf32, #tpu.memory_space<vmem>>
        %dma_start3A_52 = tpu.memref_slice %arg3[%add3A_46] : memref<100000xf32, #tpu.memory_space<hbm>> -> memref<16xf32, #tpu.memory_space<hbm>>
        tpu.enqueue_dma source(%dma_start3A_52 : memref<16xf32, #tpu.memory_space<hbm>>) target(%dma_start3A_51 : memref<16xf32, #tpu.memory_space<vmem>>) target_semaphore(%run_scoped3A : memref<!tpu.dma_semaphore, #tpu.memory_space<semaphore_mem>>)
        %dma_wait3A_53 = arith.constant 3120 : i32
        %dma_wait3A_54 = tpu.memref_slice %arg6[%dma_wait3A_53] : memref<3136xf32, #tpu.memory_space<vmem>> -> memref<16xf32, #tpu.memory_space<vmem>>
        %dma_wait3A_55 = tpu.memref_slice %arg3[%add3A_46] : memref<100000xf32, #tpu.memory_space<hbm>> -> memref<16xf32, #tpu.memory_space<hbm>>
        %dma_wait3A_56 = arith.constant 3120 : i32
        %dma_wait3A_57 = tpu.memref_slice %arg6[%dma_wait3A_56] : memref<3136xf32, #tpu.memory_space<vmem>> -> memref<16xf32, #tpu.memory_space<vmem>>
        %dma_wait3A_58 = tpu.memref_slice %arg3[%add3A_46] : memref<100000xf32, #tpu.memory_space<hbm>> -> memref<16xf32, #tpu.memory_space<hbm>>
        tpu.wait_dma2 semaphore(%run_scoped3A : memref<!tpu.dma_semaphore, #tpu.memory_space<semaphore_mem>>) src(%dma_wait3A_58 : memref<16xf32, #tpu.memory_space<hbm>>) dst(%dma_wait3A_57 : memref<16xf32, #tpu.memory_space<vmem>>)
        tpu.yield
      }) : () -> ()
    } else {
    }
    %broadcast_in_dim3A = arith.constant 0 : i32
    %broadcast_in_dim3A_21 = vector.broadcast %broadcast_in_dim3A : i32 to vector<16xi32>
    %parallel_loop3A = arith.constant 0 : i32
    %parallel_loop3A_22 = arith.constant 640 : i32
    %parallel_loop3A_23 = arith.constant 1 : i32
    scf.for %parallel_loop3A_45 = %parallel_loop3A to %parallel_loop3A_22 step %parallel_loop3A_23  : i32 {
      %parallel_loop3A_46 = arith.constant 16 : i32
      %parallel_loop3A_47 = arith.muli %parallel_loop3A_45, %parallel_loop3A_46 : i32
      %parallel_loop3A_48 = arith.index_cast %parallel_loop3A_47 : i32 to index
      %parallel_loop3A_49 = tpu.vector_load %arg7[%parallel_loop3A_48] {strides = array<i32>} : memref<10240xi32, #tpu.memory_space<vmem>>, vector<16xi32>,
      tpu.vector_store %arg7[%parallel_loop3A_48], %broadcast_in_dim3A_21 {strides = array<i32>} : memref<10240xi32, #tpu.memory_space<vmem>>, vector<16xi32>,
    } {sc.loop_unroll_factor = 8 : i64, sc.parallel_access}
    %dma_wait3A = arith.constant 0 : i32
    %dma_wait3A_24 = tpu.memref_slice %arg5[%dma_wait3A] : memref<3136xf32, #tpu.memory_space<vmem>> -> memref<3120xf32, #tpu.memory_space<vmem>>
    %dma_wait3A_25 = tpu.memref_slice %arg2[%select_n3A] : memref<100000xf32, #tpu.memory_space<hbm>> -> memref<3120xf32, #tpu.memory_space<hbm>>
    %dma_wait3A_26 = arith.constant 0 : i32
    %dma_wait3A_27 = tpu.memref_slice %arg5[%dma_wait3A_26] : memref<3136xf32, #tpu.memory_space<vmem>> -> memref<3120xf32, #tpu.memory_space<vmem>>
    %dma_wait3A_28 = tpu.memref_slice %arg2[%select_n3A] : memref<100000xf32, #tpu.memory_space<hbm>> -> memref<3120xf32, #tpu.memory_space<hbm>>
    tpu.wait_dma2 semaphore(%arg8 : memref<!tpu.dma_semaphore, #tpu.memory_space<semaphore_mem>>) src(%dma_wait3A_28 : memref<3120xf32, #tpu.memory_space<hbm>>) dst(%dma_wait3A_27 : memref<3120xf32, #tpu.memory_space<vmem>>)
    %dma_wait3A_29 = arith.constant 0 : i32
    %dma_wait3A_30 = tpu.memref_slice %arg6[%dma_wait3A_29] : memref<3136xf32, #tpu.memory_space<vmem>> -> memref<3120xf32, #tpu.memory_space<vmem>>
    %dma_wait3A_31 = tpu.memref_slice %arg3[%select_n3A] : memref<100000xf32, #tpu.memory_space<hbm>> -> memref<3120xf32, #tpu.memory_space<hbm>>
    %dma_wait3A_32 = arith.constant 0 : i32
    %dma_wait3A_33 = tpu.memref_slice %arg6[%dma_wait3A_32] : memref<3136xf32, #tpu.memory_space<vmem>> -> memref<3120xf32, #tpu.memory_space<vmem>>
    %dma_wait3A_34 = tpu.memref_slice %arg3[%select_n3A] : memref<100000xf32, #tpu.memory_space<hbm>> -> memref<3120xf32, #tpu.memory_space<hbm>>
    tpu.wait_dma2 semaphore(%arg9 : memref<!tpu.dma_semaphore, #tpu.memory_space<semaphore_mem>>) src(%dma_wait3A_34 : memref<3120xf32, #tpu.memory_space<hbm>>) dst(%dma_wait3A_33 : memref<3120xf32, #tpu.memory_space<vmem>>)
    %parallel_loop3A_35 = arith.constant 0 : i32
    %parallel_loop3A_36 = arith.constant 195 : i32
    %parallel_loop3A_37 = arith.constant 1 : i32
    %parallel_loop3A_38 = arith.constant 65536 : i32
    %parallel_loop3A_39 = arith.constant 1 : i32
    scf.for %parallel_loop3A_45 = %parallel_loop3A_35 to %parallel_loop3A_36 step %parallel_loop3A_37  : i32 {
      %parallel_loop3A_46 = arith.constant 16 : i32
      %parallel_loop3A_47 = arith.muli %parallel_loop3A_45, %parallel_loop3A_46 : i32
      %parallel_loop3A_48 = arith.index_cast %parallel_loop3A_47 : i32 to index
      %parallel_loop3A_49 = tpu.vector_load %arg5[%parallel_loop3A_48] {strides = array<i32>} : memref<3136xf32, #tpu.memory_space<vmem>>, vector<16xf32>,
      %parallel_loop3A_50 = arith.index_cast %parallel_loop3A_47 : i32 to index
      %parallel_loop3A_51 = tpu.vector_load %arg6[%parallel_loop3A_50] {strides = array<i32>} : memref<3136xf32, #tpu.memory_space<vmem>>, vector<16xf32>,
      %parallel_loop3A_52 = arith.fptosi %parallel_loop3A_49 : vector<16xf32> to vector<16xi32>
      %parallel_loop3A_53 = arith.constant 8191 : i32
      %parallel_loop3A_54 = vector.broadcast %parallel_loop3A_53 : i32 to vector<16xi32>
      %parallel_loop3A_55 = arith.andi %parallel_loop3A_52, %parallel_loop3A_54 : vector<16xi32>
      %parallel_loop3A_56 = arith.constant 5.000000e-01 : f32
      %parallel_loop3A_57 = vector.broadcast %parallel_loop3A_56 : f32 to vector<16xf32>
      %parallel_loop3A_58 = arith.cmpf olt, %parallel_loop3A_51, %parallel_loop3A_57 : vector<16xf32>
      %parallel_loop3A_59 = vector.broadcast %parallel_loop3A_38 : i32 to vector<16xi32>
      %parallel_loop3A_60 = vector.broadcast %parallel_loop3A_39 : i32 to vector<16xi32>
      %parallel_loop3A_61 = arith.select %parallel_loop3A_58, %parallel_loop3A_59, %parallel_loop3A_60 : vector<16xi1>, vector<16xi32>
      tpu.vector_store_idx %arg7[%parallel_loop3A_55], %parallel_loop3A_61 {add = true} : memref<10240xi32, #tpu.memory_space<vmem>>[vector<16xi32>], vector<16xi32>,
    } {sc.loop_unroll_factor = 13 : i64, sc.parallel_access}
    %convert_element_type3A_40 = arith.extui %lt3A_1 : i1 to i32
    %cond3A_41 = arith.constant 65536 : i32
    %cond3A_42 = arith.constant 1 : i32
    %cond3A_43 = arith.constant 0 : i32
    %cond3A_44 = arith.cmpi ne, %convert_element_type3A_40, %cond3A_43 : i32
    scf.if %cond3A_44 {
      %mul3A_45 = arith.constant 195 : i32
      %mul3A_46 = arith.constant 16 : i32
      %mul3A_47 = arith.muli %mul3A_45, %mul3A_46 : i32
      %get3A = arith.index_cast %mul3A_47 : i32 to index
      %get3A_48 = tpu.vector_load %arg5[%get3A] {strides = array<i32>} : memref<3136xf32, #tpu.memory_space<vmem>>, vector<16xf32>,
      %get3A_49 = arith.index_cast %mul3A_47 : i32 to index
      %get3A_50 = tpu.vector_load %arg6[%get3A_49] {strides = array<i32>} : memref<3136xf32, #tpu.memory_space<vmem>>, vector<16xf32>,
      %convert_element_type3A_51 = arith.fptosi %get3A_48 : vector<16xf32> to vector<16xi32>
      %and3A = arith.constant 8191 : i32
      %and3A_52 = vector.broadcast %and3A : i32 to vector<16xi32>
      %and3A_53 = arith.andi %convert_element_type3A_51, %and3A_52 : vector<16xi32>
      %lt3A_54 = arith.constant 5.000000e-01 : f32
      %lt3A_55 = vector.broadcast %lt3A_54 : f32 to vector<16xf32>
      %lt3A_56 = arith.cmpf olt, %get3A_50, %lt3A_55 : vector<16xf32>
      %broadcast_in_dim3A_57 = vector.broadcast %cond3A_41 : i32 to vector<16xi32>
      %broadcast_in_dim3A_58 = vector.broadcast %cond3A_42 : i32 to vector<16xi32>
      %select_n3A_59 = arith.select %lt3A_56, %broadcast_in_dim3A_57, %broadcast_in_dim3A_58 : vector<16xi1>, vector<16xi32>
      tpu.vector_store_idx %arg7[%and3A_53], %select_n3A_59 {add = true} : memref<10240xi32, #tpu.memory_space<vmem>>[vector<16xi32>], vector<16xi32>,
    } else {
    }
    "tpu.region"() ({
      %run_scoped3A = tpu.sem_alloc : memref<!tpu.dma_semaphore, #tpu.memory_space<semaphore_mem>>
      %dma_start3A_45 = arith.constant 0 : i32
      %dma_start3A_46 = tpu.memref_slice %arg4[%add3A, %dma_start3A_45] : memref<32x10240xi32, #tpu.memory_space<hbm>> -> memref<1x10240xi32, #tpu.memory_space<hbm>>
      %dma_start3A_47 = tpu.memref_squeeze %dma_start3A_46 : memref<1x10240xi32, #tpu.memory_space<hbm>> -> memref<10240xi32, #tpu.memory_space<hbm>>
      %dma_start3A_48 = arith.constant 0 : i32
      %dma_start3A_49 = tpu.memref_slice %arg4[%add3A, %dma_start3A_48] : memref<32x10240xi32, #tpu.memory_space<hbm>> -> memref<1x10240xi32, #tpu.memory_space<hbm>>
      %dma_start3A_50 = tpu.memref_squeeze %dma_start3A_49 : memref<1x10240xi32, #tpu.memory_space<hbm>> -> memref<10240xi32, #tpu.memory_space<hbm>>
      tpu.enqueue_dma source(%arg7 : memref<10240xi32, #tpu.memory_space<vmem>>) target(%dma_start3A_50 : memref<10240xi32, #tpu.memory_space<hbm>>) target_semaphore(%run_scoped3A : memref<!tpu.dma_semaphore, #tpu.memory_space<semaphore_mem>>)
      %dma_wait3A_51 = arith.constant 0 : i32
      %dma_wait3A_52 = tpu.memref_slice %arg4[%add3A, %dma_wait3A_51] : memref<32x10240xi32, #tpu.memory_space<hbm>> -> memref<1x10240xi32, #tpu.memory_space<hbm>>
      %dma_wait3A_53 = tpu.memref_squeeze %dma_wait3A_52 : memref<1x10240xi32, #tpu.memory_space<hbm>> -> memref<10240xi32, #tpu.memory_space<hbm>>
      %dma_wait3A_54 = arith.constant 0 : i32
      %dma_wait3A_55 = tpu.memref_slice %arg4[%add3A, %dma_wait3A_54] : memref<32x10240xi32, #tpu.memory_space<hbm>> -> memref<1x10240xi32, #tpu.memory_space<hbm>>
      %dma_wait3A_56 = tpu.memref_squeeze %dma_wait3A_55 : memref<1x10240xi32, #tpu.memory_space<hbm>> -> memref<10240xi32, #tpu.memory_space<hbm>>
      tpu.wait_dma2 semaphore(%run_scoped3A : memref<!tpu.dma_semaphore, #tpu.memory_space<semaphore_mem>>) src(%arg7 : memref<10240xi32, #tpu.memory_space<vmem>>) dst(%dma_wait3A_56 : memref<10240xi32, #tpu.memory_space<hbm>>)
      tpu.yield
    }) : () -> ()
    return
  }
}

</mosaic_0001>

<sc_bundles>
// kernel: kernel.3.cloned.1.call-start
scs
__scs_entry_jumppad:
0x0: {  	(pc) =	sbr.rel $0x88, $3  }
0x1: {  	(tag) =	ssettag $0x0;
	lr =	simm.s32 $0x1  }
0x2: {  	[smem:$0x3F9F] =	sst lr;
	_ =	strace $0xD0000000  }
0x3: {  	_ = 	snop  }
0x4: {  	_ = 	snop  }
0x5: {  	_ = 	snop  }
0x6: {  	_ = 	snop  }
0x7: {  	_ = 	snop  }
__scs_overlays_trampoline_lowered:
0x8: {  	[smem:$0x3FAE] =	sst s0  }
0x9: {  	[smem:$0x3FAF] =	sst s1  }
0xa: {  	[smem:$0x3FB0] =	sst s2  }
0xb: {  	[smem:$0x3FB1] =	sst s3  }
0xc: {  	[smem:$0x3FB2] =	sst s4  }
0xd: {  	[smem:$0x3FB3] =	sst s5  }
0xe: {  	[smem:$0x3FB4] =	sst s6  }
0xf: {  	[smem:$0x3FB5] =	sst s7  }
0x10: {  	[smem:$0x3FB6] =	sst s8  }
0x11: {  	[smem:$0x3FB7] =	sst s9;
	s0 =	simm.s32 @!p0 $0x0  }
0x12: {  	s1 =	sld [smem:$0x3F9D];
	s0 =	simm.s32 @p0 $0x1  }
0x13: {  	[smem:$0x3FB8] =	sst s0;
	s0 =	simm.s32 @!p1 $0x0  }
0x14: {  	s2 =	sld [smem:$0x3F9C];
	s0 =	simm.s32 @p1 $0x1  }
0x15: {  	[smem:$0x3FB9] =	sst s0;
	s0 =	simm.s32 @!p2 $0x0  }
0x16: {  	s3 =	sld [smem:$0x3FDB];
	s0 =	simm.s32 @p2 $0x1  }
0x17: {  	s4 =	simm.s32 $0x1BF5;
	[smem:$0x3FBB] =	sst s0  }
0x18: {  	s0 =	sld [smem:$0x3F9E];
	_ =	swait.ge [sflag:s4], $0x0  }
0x19: {  	s7 =	sld [smem:$0x3F9F]  }
0x1a: {  	s8 =	sadd.s32 $0xFFFFE003, lr  }
0x1b: {  	s9 =	sadd.s32 $0xFFFFFEF7, lr;
	s5 =	simm.s32 $0xFFFFFFFF;
	p2 =	slt.u32 s8, $0xFFFFF086  }
0x1c: {  	p1 =	slt.u32 s9, $0xF7A;
	s5 =	simm.s32 @!p2 $0x0  }
0x1d: {  	s5 =	simm.s32 @p1 $0x1;
	p0 =	seq.s32 s7, s2  }
0x1e: {  	s7 =	smul.u32 @!p0 $0xF7A, s2;
	p2 =	seq.s32 @!p0 s5, $0x0  }
0x1f: {  	s9 =	smul.u32 $0xF7A, s1;
	s8 =	simm.s32 @!p0 $0x1BF5;
	p2 =	por !p2, p0  }
0x20: {  	[sflag:s8] =	ssyncset.s32 @!p0 $0xFFFFF086;
	s6 =	sadd.s32 @!p0 s3, s7;
	s7 =	simm.s32 @!p0 $0x108  }
0x21: {  	s3 =	sadd.s32 s3, s9;
	s6 =	sadd.s32 @!p0 $0x88, s6;
	s7 =	simm.s32 @p2 $0x1082  }
0x22: {  	[simem:s7], [sflag:s8] =	dma.local @!p0 [hbm:s6], $0xF7A  }
0x23: {  	s9 =	sor.u32 $0xD0000000, s2;
	s6 =	simm.s32 $0x108;
	_ =	swait.ge @!p0 [sflag:s8], $0x0  }
0x24: {  	s3 =	sadd.s32 $0x88, s3;
	s6 =	simm.s32 @!p1 $0x1082;
	[sflag:s4] =	ssyncset.s32 $0xFFFFF086  }
0x25: {  	[simem:s6], [sflag:s4] =	dma.local [hbm:s3], $0xF7A  }
0x26: {  	[smem:$0x3F9F] =	sst s1;
	(tag) =	ssettag s2;
	_ =	strace s9  }
0x27: {  	s1 =	sld [smem:$0x3FAF]  }
0x28: {  	s2 =	sld [smem:$0x3FB0]  }
0x29: {  	s4 =	sld [smem:$0x3FB2]  }
0x2a: {  	p0 =	seq.s32 s5, $0x0;
	s5 =	sld [smem:$0x3FB3]  }
0x2b: {  	s6 =	sld [smem:$0x3FB4]  }
0x2c: {  	s7 =	sld [smem:$0x3FB5]  }
0x2d: {  	s3 =	simm.s32 $0x108;
	s8 =	sld [smem:$0x3FB6]  }
0x2e: {  	s3 =	simm.s32 @!p0 $0x1082;
	s9 =	sld [smem:$0x3FB7]  }
0x2f: {  	lr =	sadd.s32 s0, s3;
	s0 =	sld [smem:$0x3FAE]  }
0x30: {  	s3 =	sld [smem:$0x3FB1]  }
0x31: {  	[smem:$0x3FBA] =	sst s10  }
0x32: {  	s10 =	sld [smem:$0x3FB8];
	_ =	sdelay $0x3  }
0x33: {  	p0 =	seq.s32 s10, $0x1;
	s10 =	sld [smem:$0x3FBA];
	_ =	sdelay $0x3  }
0x34: {  	[smem:$0x3FBA] =	sst s10  }
0x35: {  	s10 =	sld [smem:$0x3FB9];
	_ =	sdelay $0x3  }
0x36: {  	p1 =	seq.s32 s10, $0x1;
	s10 =	sld [smem:$0x3FBA];
	_ =	sdelay $0x3  }
0x37: {  	[smem:$0x3FBA] =	sst s10  }
0x38: {  	s10 =	sld [smem:$0x3FBB]  }
0x39: {  	_ = 	snop;
	(pc) =	sbr.ind lr, $3  }
0x3a: {  	_ = 	snop  }
0x3b: {  	_ = 	snop  }
0x3c: {  	p2 =	seq.s32 s10, $0x1;
	s10 =	sld [smem:$0x3FBA]  }
0x3d: {  	_ =	shalt  }
0x3e: {  	_ =	shalt  }
0x3f: {  	_ =	shalt  }
0x40: {  	_ =	shalt  }
0x41: {  	_ =	shalt  }
0x42: {  	_ =	shalt  }
0x43: {  	_ =	shalt  }
0x44: {  	_ =	shalt  }
0x45: {  	_ =	shalt  }
0x46: {  	_ =	shalt  }
0x47: {  	_ =	shalt  }
0x48: {  	_ =	shalt  }
0x49: {  	_ =	shalt  }
0x4a: {  	_ =	shalt  }
0x4b: {  	_ =	shalt  }
0x4c: {  	_ =	shalt  }
0x4d: {  	_ =	shalt  }
0x4e: {  	_ =	shalt  }
0x4f: {  	_ =	shalt  }
0x50: {  	_ =	shalt  }
0x51: {  	_ =	shalt  }
0x52: {  	_ =	shalt  }
0x53: {  	_ =	shalt  }
0x54: {  	_ =	shalt  }
0x55: {  	_ =	shalt  }
0x56: {  	_ =	shalt  }
0x57: {  	_ =	shalt  }
0x58: {  	_ =	shalt  }
0x59: {  	_ =	shalt  }
0x5a: {  	_ =	shalt  }
0x5b: {  	_ =	shalt  }
0x5c: {  	_ =	shalt  }
0x5d: {  	_ =	shalt  }
0x5e: {  	_ =	shalt  }
0x5f: {  	_ =	shalt  }
0x60: {  	_ =	shalt  }
0x61: {  	_ =	shalt  }
0x62: {  	_ =	shalt  }
0x63: {  	_ =	shalt  }
0x64: {  	_ =	shalt  }
0x65: {  	_ =	shalt  }
0x66: {  	_ =	shalt  }
0x67: {  	_ =	shalt  }
0x68: {  	_ =	shalt  }
0x69: {  	_ =	shalt  }
0x6a: {  	_ =	shalt  }
0x6b: {  	_ =	shalt  }
0x6c: {  	_ =	shalt  }
0x6d: {  	_ =	shalt  }
0x6e: {  	_ =	shalt  }
0x6f: {  	_ =	shalt  }
0x70: {  	_ =	shalt  }
0x71: {  	_ =	shalt  }
0x72: {  	_ =	shalt  }
0x73: {  	_ =	shalt  }
0x74: {  	_ =	shalt  }
0x75: {  	_ =	shalt  }
0x76: {  	_ =	shalt  }
0x77: {  	_ =	shalt  }
0x78: {  	_ =	shalt  }
0x79: {  	_ =	shalt  }
0x7a: {  	_ =	shalt  }
0x7b: {  	_ =	shalt  }
0x7c: {  	_ =	shalt  }
0x7d: {  	_ =	shalt  }
0x7e: {  	_ =	shalt  }
0x7f: {  	_ =	shalt  }
0x80: {  	_ =	shalt  }
0x81: {  	_ =	shalt  }
0x82: {  	_ =	shalt  }
0x83: {  	_ =	shalt  }
0x84: {  	_ =	shalt  }
0x85: {  	_ =	shalt  }
0x86: {  	_ =	shalt  }
0x87: {  	_ =	shalt  }
.Lfunc_end0:
.L_simem_size_0:
called_computation_lowered:
.L_overlay_start_0:
0x88: {  	s2 =	sld [smem:$0x3FD9]  }
0x89: {  	s3 =	sld [smem:$0x3FFE];
	_ =	sdelay $0x1  }
0x8a: {  	s1 =	srdreg.scid  }
0x8b: {  	s0 =	sand.u32 $0x1, s1  }
0x8c: {  	s17 =	sshll.u32 s0, $0xA;
	s2 =	sadd.s32 s3, s2  }
0x8d: {  	s2 =	sadd.s32 s2, s17  }
0x8e: {  	[smem:$0x3FC6] =	sst s2  }
0x8f: {  	_ = 	snop  }
0x90: {  	s2 =	sld [smem:$0x3FC9]  }
0x91: {  	s18 =	sld [smem:$0x3FC8];
	(tm) =	ssettm $0x1  }
0x92: {  	s4 =	sld [smem:$0x3FFB];
	_ =	sdelay $0x3  }
0x93: {  	_ =	strace s4  }
0x94: {  	s4 =	sld [smem:$0x3FFC];
	_ =	sdelay $0x3  }
0x95: {  	_ =	strace s4  }
0x96: {  	s4 =	sld [smem:$0x3FFD];
	_ =	sdelay $0x3  }
0x97: {  	_ =	strace s4  }
0x98: {  	_ =	strace $0x8FFFFFFF  }
0x99: {  	s19 =	sld [smem:$0x3FDB];
	_ =	sdelay $0x1  }
0x9a: {  	s5 =	simm.s32 $_scs_section_size  }
0x9b: {  	s6 =	simm.s32 $_size__tile_overlayer_lowered;
	s7 =	simm.s32 $_tile_overlayer_lowered  }
0x9c: {  	s22 =	simm.s32 $0x1BFF;
	s21 =	sshll.u32 s7, $0x1;
	s4 =	sadd.s32 s5, s19  }
0x9d: {  	s8 =	simm.s32 $0x0;
	s20 =	sshll.u32 s6, $0x1;
	s6 =	sadd.s32 s21, s4  }
0x9e: {  	[timem:s8], [sflag:s22] =	dma.local [hbm:s6], s20  }
0x9f: {  	_ =	swait.ge [sflag:s22], s20  }
0xa0: {  	s5 =	ssub.s32 $0x0, s20;
	[sflag:s22] =	ssyncset.done $0x0  }
0xa1: {  	[sflag:s22] =	ssyncadd.s32 s5;
	_ =	sdelay $0x1  }
0xa2: {  	s23 =	simm.s32 $0x1B8B  }
0xa3: {  	_ =	swait.ge [sflag:s23], $0x1  }
0xa4: {  	[sflag:s23] =	ssyncset.done $0x0  }
0xa5: {  	s25 =	simm.s32 $0x1B8E;
	s24 =	sld [smem:$0x3FFE];
	[sflag:s23] =	ssyncadd.s32 $0xFFFFFFFF  }
0xa6: {  	s26 =	simm.s32 $execute0_lowered;
	[smem:$0x3FD2] =	sst s25  }
0xa7: {  	s6 =	sshll.u32 s26, $0x1;
	_ =	strace $0x80000046;
	[dreg:$0x1] =	wrdreg $0xFFFFFFFF  }
0xa8: {  	s28 =	simm.s32 $_size_execute0_lowered;
	s4 =	sadd.s32 s4, s6;
	[dreg:$0x0] =	wrdreg $0x0  }
0xa9: {  	s6 =	sshll.u32 s28, $0x1;
	[dreg:$0x2] =	wrdreg s4  }
0xaa: {  	[dreg:$0x3] =	wrdreg s6  }
0xab: {  	[dreg:$0x4] =	wrdreg $0xC0  }
0xac: {  	_ =	task [dreg:s8], $0x5FFFF  }
0xad: {  	[dreg:$0x1] =	wrdreg $0xFFFFFFFF  }
0xae: {  	[dreg:$0x0] =	wrdreg $0x60  }
0xaf: {  	[dreg:$0x2] =	wrdreg s2  }
0xb0: {  	[dreg:$0x3] =	wrdreg s18  }
0xb1: {  	[dreg:$0x4] =	wrdreg s24  }
0xb2: {  	[dreg:$0x5] =	wrdreg $0x9  }
0xb3: {  	_ =	task.clear_ibuf [dreg:s8], $0x6FFFF;
	_ =	strace $0x90000046  }
0xb4: {  	s29 =	simm.s32 $0x9;
	_ =	strace $0x80000048  }
0xb5: {  	_ =	swait.ge [sflag:s29], $0x1  }
0xb6: {  	[sflag:s29] =	ssyncadd.s32 $0xFFFFFFFF  }
0xb7: {  	_ =	strace $0x90000048  }
0xb8: {  	_ =	sfence  }
0xb9: {  	s30 =	sld [smem:$0x0];
	_ =	sdelay $0x2  }
0xba: {  	s31 =	sshll.u32 s1, $0xD;
	s1 =	sshrl.u32 s1, $0x2  }
0xbb: {  	s3 =	sand.u32 $0x4000, s31;
	s1 =	sadd.s32 s1, s30  }
0xbc: {  	s0 =	sor.u32 s3, s0;
	s1 =	sshll.u32 s1, $0x11  }
0xbd: {  	s0 =	sor.u32 s1, s0  }
0xbe: {  	s0 =	sadd.s32 $0x8F2B, s0  }
0xbf: {  	[sflag:s0] =	ssyncadd.remote.s32 $0x1  }
0xc0: {  	_ =	sfence.sel $0xFFFF  }
0xc1: {  	[dreg:$0x0] =	wrdreg $0xFFFFFFFF;
	(pc) =	sbr.abs _section_cstart, $3  }
0xc2: {  	[dreg:$0x1] =	wrdreg $0xFFFFFFFF  }
0xc3: {  	_ =	task.clear_ibuf [dreg:s8], $0x2FFFF;
	_ =	strace $0x9FFFFFFF  }
0xc4: {  	(tm) =	ssettm $0x7FFFFFFF  }
0xc5: {  	_ =	shalt  }
tec
execute0_lowered:
.L_overlay_start_1:
0x0: {  	(tag) =	ssettag $0x1  }
0x1: {  	s5 =	rddreg [dreg:$0x0]  }
0x2: {  	s1 =	srdreg.scid;
	s6 =	rddreg [dreg:$0x1]  }
0x3: {  	s0 =	stileid.u32;
	s8 =	rddreg [dreg:$0x2];
	s2 =	simm.s32 $0x0  }
0x4: {  	s11 =	simm.s32 $0x2;
	s12 =	simm.s32 $0x1900;
	s13 =	simm.s32 $0x80  }
0x5: {  	s14 =	simm.s32 $0x400;
	s3 =	sand.u32 $0x1, s1;
	s26 =	sshll.u32 s0, $0x1  }
0x6: {  	s15 =	simm.s32 $0x3;
	s28 =	sshrl.u32 s0, $0x2;
	s4 =	sor.u32 s3, s26  }
0x7: {  	s1 =	rddreg [dreg:$0x3];
	s7 =	smul.u32 $0x14000, s28;
	s29 =	sshll.u32 s4, $0x7  }
0x8: {  	s16 =	simm.s32 $0x0;
	[smem:$0x7FF] =	sst s2;
	s9 =	sand.u32 $0x380, s29  }
0x9: {  	p0 =	slt.u32 s0, $0x5;
	s30 =	smul.u32 $0xC30, s4;
	s7 =	sor.u32 s7, s9  }
0xa: {  	s3 =	ssub.s32 $0x2, s3;
	s4 =	smul.u32 $0xC40, s4;
	s7 =	sshrl.u32 s7, $0x3  }
0xb: {  	s31 =	sshrl.u32 s3, $0x1;
	s7 =	sadd.s32 s7, s8;
	s8 =	sadd.s32 $0xA0, s30  }
0xc: {  	_ =	strace $0x80000047;
	s9 =	ssub.s32 s3, s31;
	s8 =	smov.u32 @p0 s4  }
0xd: {  	s4 =	sshrl.u32 s4, $0x3;
	s7 =	sadd.s32 $0x400, s7;
	s8 =	sshrl.u32 s8, $0x3  }
0xe: {  	p0 =	sgt.u32 s0, $0x4;
	s10 =	sadd.s32 $0x186, s4;
	s3 =	sadd.s32 s5, s8  }
0xf: {  	s4 =	sadd.s32 s6, s8;
	s5 =	sadd.s32 s5, s10;
	s6 =	sadd.s32 s6, s10  }
0x10: {  	v0 =	vimm.s32 $0x0;
	v1 =	vimm.s32 $0x1;
	s8 =	smax.u32 s9, $0x1;
	s9 =	simm.s32 $0xC80;
	s10 =	simm.s32 $0x1  }
.LBB2_1:
0x11: {  	[tilespmem:s2], [sflag:$0x1] =	stream.linear.gather [hbm4b:s3+s2], $0xC30, $0x38;
	[tilespmem:$0x4100] =	vst v63  }
0x12: {  	_ = 	snop  }
0x13: {  	[tilespmem:s9], [sflag:$0x2] =	stream.linear.gather [hbm4b:s4+s2], $0xC30, $0x38;
	[tilespmem:$0x4100] =	vst v63  }
0x14: {  	s17 =	simm.s32 @!p0 $0x0;
	s18 =	simm.s32 @!p0 $0xC30  }
0x15: {  	[tilespmem:s18], [sflag:$0x3] =	stream.linear.gather @!p0 [hbm4b:s5+s17], $0x10, $0x38;
	[tilespmem:$0x4100] =	vst v63  }
0x16: {  	s18 =	simm.s32 @!p0 $0x3  }
0x17: {  	_ =	swait.ge @!p0 [sflag:s18], $0x10  }
0x18: {  	[sflag:s18] =	ssyncset.done @!p0 $0x0  }
0x19: {  	s19 =	simm.s32 @!p0 $0x18B0;
	[sflag:s18] =	ssyncadd.s32 @!p0 $0xFFFFFFF0  }
0x1a: {  	[tilespmem:s19], [sflag:$0x3] =	stream.linear.gather @!p0 [hbm4b:s6+s17], $0x10, $0x38;
	[tilespmem:$0x4100] =	vst v63  }
0x1b: {  	_ =	swait.ge @!p0 [sflag:s18], $0x10  }
0x1c: {  	[sflag:s18] =	ssyncset.done @!p0 $0x0  }
0x1d: {  	s17 =	simm.s32 $0x1940;
	[sflag:s18] =	ssyncadd.s32 @!p0 $0xFFFFFFF0  }
0x1e: {  	[tilespmem:s17+$0xFFFFFFC0] =	vst v0  }
0x1f: {  	[tilespmem:s17+$0x30] =	vst v0  }
0x20: {  	[tilespmem:s17+$0x20] =	vst v0  }
0x21: {  	[tilespmem:s17+$0x10] =	vst v0  }
0x22: {  	[tilespmem:s17+$0x0] =	vst v0  }
0x23: {  	[tilespmem:s17+$0xFFFFFFF0] =	vst v0  }
0x24: {  	s18 =	simm.s32 $0x0;
	[tilespmem:s17+$0xFFFFFFE0] =	vst v0  }
.LBB2_2:
0x25: {  	s18 =	sadd.s32 $0x8, s18;
	[tilespmem:s17+$0xFFFFFFD0] =	vst v0;
	s17 =	sadd.s32 $0x80, s17  }
0x26: {  	[tilespmem:s17+$0xFFFFFFC0] =	vst v0;
	p1 =	slt.u32 s18, $0x278  }
0x27: {  	[tilespmem:s17+$0x30] =	vst v0  }
.Ltmp0:
0x28: {  	[tilespmem:s17+$0x20] =	vst v0;
	(pc) =	sbr.rel @p1 .LBB2_2-.Ltmp0, $4  }
0x29: {  	[tilespmem:s17+$0x10] =	vst v0  }
0x2a: {  	[tilespmem:s17+$0x0] =	vst v0  }
0x2b: {  	[tilespmem:s17+$0xFFFFFFF0] =	vst v0  }
0x2c: {  	[tilespmem:s17+$0xFFFFFFE0] =	vst v0  }
0x2d: {  	[tilespmem:s17+$0xFFFFFFD0] =	vst v0  }
0x2e: {  	_ =	swait.ge [sflag:s10], $0xC30  }
0x2f: {  	[sflag:s10] =	ssyncset.done $0x0  }
0x30: {  	[sflag:s10] =	ssyncadd.s32 $0xFFFFF3D0  }
0x31: {  	_ =	swait.ge [sflag:s11], $0xC30  }
0x32: {  	[sflag:s11] =	ssyncset.done $0x0  }
0x33: {  	s18 =	simm.s32 $0x60;
	s31 =	simm.s32 $0x0;
	[sflag:s11] =	ssyncadd.s32 $0xFFFFF3D0  }
0x34: {  	s19 =	sand.u32 $0xFF0, s31;
	v2 =	vld [tilespmem:s18+$0x60]  }
0x35: {  	v3 =	vld [tilespmem:s19+$0x80]  }
0x36: {  	v5 =	vld [tilespmem:s18+$0xFFFFFFC0]  }
0x37: {  	v6 =	vld [tilespmem:s18+$0xFFFFFFD0]  }
0x38: {  	s17 =	simm.s32 $0xCE0;
	v7 =	vld [tilespmem:s18+$0xFFFFFFE0]  }
0x39: {  	v8 =	vld [tilespmem:s17+$0x60]  }
0x3a: {  	v9 =	vld [tilespmem:s19+$0xD00]  }
0x3b: {  	v10 =	vld [tilespmem:s18+$0xFFFFFFF0]  }
0x3c: {  	v11 =	vld [tilespmem:s18+$0x0]  }
0x3d: {  	v12 =	vld [tilespmem:s18+$0x10]  }
0x3e: {  	v13 =	vld [tilespmem:s18+$0x30]  }
0x3f: {  	v47 =	vld [tilespmem:s18+$0x40]  }
0x40: {  	v51 =	vld [tilespmem:s17+$0xFFFFFFB0]  }
0x41: {  	v15 =	vld [tilespmem:s17+$0xFFFFFFC0]  }
0x42: {  	v16 =	vld [tilespmem:s17+$0xFFFFFFD0];
	v2 =	vtrunc.f32 v2;
	v3 =	vtrunc.f32 v3  }
0x43: {  	v17 =	vld [tilespmem:s17+$0xFFFFFFE0];
	v5 =	vtrunc.f32 v5;
	v6 =	vtrunc.f32 v6  }
0x44: {  	v18 =	vld [tilespmem:s17+$0xFFFFFFF0];
	vm0 =	vlt.f32 v8, $5.000000000e-01;
	v7 =	vtrunc.f32 v7;
	v2 =	vcvt.f32.s32 v2  }
0x45: {  	v19 =	vld [tilespmem:s17+$0x0];
	vm1 =	vlt.f32 v9, $5.000000000e-01;
	v10 =	vtrunc.f32 v10;
	v3 =	vcvt.f32.s32 v3  }
0x46: {  	v4 =	vld [tilespmem:s18+$0xFFFFFFB0];
	v11 =	vtrunc.f32 v11;
	v12 =	vtrunc.f32 v12;
	v2 =	vand.u32 $0x1FFF, v2  }
0x47: {  	v49 =	vld [tilespmem:s18+$0xFFFFFFA0];
	v13 =	vtrunc.f32 v13;
	v8 =	vtrunc.f32 v47;
	v3 =	vand.u32 $0x1FFF, v3  }
0x48: {  	v50 =	vld [tilespmem:s17+$0xFFFFFFA0];
	vm5 =	vlt.f32 v51, $5.000000000e-01;
	vm7 =	vlt.f32 v15, $5.000000000e-01;
	vm8 =	vlt.f32 v16, $5.000000000e-01  }
0x49: {  	v20 =	vld [tilespmem:s17+$0x10];
	vm9 =	vlt.f32 v17, $5.000000000e-01;
	vm10 =	vlt.f32 v18, $5.000000000e-01;
	v5 =	vcvt.f32.s32 v5  }
0x4a: {  	v21 =	vld [tilespmem:s17+$0x30];
	vm11 =	vlt.f32 v19, $5.000000000e-01;
	v48 =	vsel vm0, $0x10000, v1;
	v6 =	vcvt.f32.s32 v6  }
0x4b: {  	v14 =	vsel vm1, $0x10000, v1;
	v7 =	vcvt.f32.s32 v7;
	v5 =	vand.u32 $0x1FFF, v5;
	[tilespmem:v2+s12+$0x0] =	vst.idx.add.s32.msk $0xffff, v48  }
0x4c: {  	v10 =	vcvt.f32.s32 v10;
	v6 =	vand.u32 $0x1FFF, v6;
	[tilespmem:v3+s12+$0x0] =	vst.idx.add.s32.msk $0xffff, v14;
	v3 =	vtrunc.f32 v4  }
0x4d: {  	v11 =	vcvt.f32.s32 v11;
	v7 =	vand.u32 $0x1FFF, v7;
	v2 =	vld [tilespmem:s18+$0x50];
	v3 =	vcvt.f32.s32 v3  }
0x4e: {  	v52 =	vld [tilespmem:s17+$0x40];
	v12 =	vcvt.f32.s32 v12;
	v13 =	vcvt.f32.s32 v13;
	v10 =	vand.u32 $0x1FFF, v10  }
0x4f: {  	v22 =	vld [tilespmem:s17+$0x50];
	v8 =	vcvt.f32.s32 v8;
	v55 =	vsel vm7, $0x10000, v1;
	v3 =	vand.u32 $0x1FFF, v3  }
0x50: {  	v56 =	vsel vm8, $0x10000, v1;
	v11 =	vand.u32 $0x1FFF, v11;
	v4 =	vtrunc.f32 v49;
	[tilespmem:v5+s12+$0x0] =	vst.idx.add.s32.msk $0xffff, v55  }
0x51: {  	v57 =	vsel vm9, $0x10000, v1;
	v12 =	vand.u32 $0x1FFF, v12;
	[tilespmem:v6+s12+$0x0] =	vst.idx.add.s32.msk $0xffff, v56;
	v4 =	vcvt.f32.s32 v4  }
0x52: {  	v59 =	vsel vm10, $0x10000, v1;
	v58 =	vand.u32 $0x1FFF, v8;
	[tilespmem:v7+s12+$0x0] =	vst.idx.add.s32.msk $0xffff, v57;
	v2 =	vtrunc.f32 v2  }
0x53: {  	v53 =	vsel vm5, $0x10000, v1;
	[tilespmem:v10+s12+$0x0] =	vst.idx.add.s32.msk $0xffff, v59;
	v4 =	vand.u32 $0x1FFF, v4;
	v2 =	vcvt.f32.s32 v2  }
0x54: {  	vm12 =	vlt.f32 v20, $5.000000000e-01;
	v60 =	vsel vm11, $0x10000, v1;
	[tilespmem:v3+s12+$0x0] =	vst.idx.add.s32.msk $0xffff, v53;
	v3 =	vand.u32 $0x1FFF, v13  }
0x55: {  	vm14 =	vlt.f32 v52, $5.000000000e-01;
	v61 =	vsel vm12, $0x10000, v1;
	[tilespmem:v11+s12+$0x0] =	vst.idx.add.s32.msk $0xffff, v60;
	v2 =	vand.u32 $0x1FFF, v2  }
0x56: {  	vm6 =	vlt.f32 v50, $5.000000000e-01;
	v63 =	vsel vm14, $0x10000, v1;
	[tilespmem:v12+s12+$0x0] =	vst.idx.add.s32.msk $0xffff, v61  }
0x57: {  	vm13 =	vlt.f32 v21, $5.000000000e-01;
	v54 =	vsel vm6, $0x10000, v1;
	[tilespmem:v58+s12+$0x0] =	vst.idx.add.s32.msk $0xffff, v63  }
0x58: {  	vm15 =	vlt.f32 v22, $5.000000000e-01;
	v62 =	vsel vm13, $0x10000, v1;
	[tilespmem:v4+s12+$0x0] =	vst.idx.add.s32.msk $0xffff, v54  }
0x59: {  	[tilespmem:v3+s12+$0x0] =	vst.idx.add.s32.msk $0xffff, v62;
	v3 =	vsel vm15, $0x10000, v1  }
0x5a: {  	s20 =	simm.s32 $0xD0;
	s19 =	simm.s32 $0x130;
	s18 =	simm.s32 $0x0;
	[tilespmem:v2+s12+$0x0] =	vst.idx.add.s32.msk $0xffff, v3  }
.LBB2_4:
0x5b: {  	s21 =	sand.u32 $0xFF0, s20;
	v2 =	vld [tilespmem:s19+$0x60];
	s18 =	sadd.s32 $0xD, s18  }
0x5c: {  	v3 =	vld [tilespmem:s21+$0x80];
	p1 =	slt.u32 s18, $0xB6  }
0x5d: {  	v4 =	vld [tilespmem:s19+$0xFFFFFFB0]  }
0x5e: {  	v5 =	vld [tilespmem:s19+$0xFFFFFFC0]  }
0x5f: {  	v6 =	vld [tilespmem:s19+$0xFFFFFFD0]  }
0x60: {  	s17 =	sadd.s32 $0xD0, s17;
	v7 =	vld [tilespmem:s19+$0xFFFFFFE0];
	v2 =	vtrunc.f32 v2  }
0x61: {  	v3 =	vtrunc.f32 v3;
	v8 =	vld [tilespmem:s17+$0x60];
	v2 =	vcvt.f32.s32 v2  }
0x62: {  	v4 =	vtrunc.f32 v4;
	v9 =	vld [tilespmem:s21+$0xD00];
	v3 =	vcvt.f32.s32 v3  }
0x63: {  	v4 =	vcvt.f32.s32 v4;
	v5 =	vtrunc.f32 v5;
	v10 =	vld [tilespmem:s19+$0xFFFFFFF0];
	v2 =	vand.u32 $0x1FFF, v2  }
0x64: {  	v5 =	vcvt.f32.s32 v5;
	v6 =	vtrunc.f32 v6;
	v11 =	vld [tilespmem:s19+$0x0];
	v3 =	vand.u32 $0x1FFF, v3  }
0x65: {  	v4 =	vand.u32 $0x1FFF, v4;
	v6 =	vcvt.f32.s32 v6;
	v7 =	vtrunc.f32 v7;
	v12 =	vld [tilespmem:s19+$0x10]  }
0x66: {  	v5 =	vand.u32 $0x1FFF, v5;
	v7 =	vcvt.f32.s32 v7;
	v13 =	vld [tilespmem:s19+$0x30];
	vm0 =	vlt.f32 v8, $5.000000000e-01  }
0x67: {  	v6 =	vand.u32 $0x1FFF, v6;
	vm1 =	vlt.f32 v9, $5.000000000e-01;
	v8 =	vld [tilespmem:s19+$0x40];
	v9 =	vsel vm0, $0x10000, v1  }
0x68: {  	v7 =	vand.u32 $0x1FFF, v7;
	v10 =	vtrunc.f32 v10;
	v14 =	vsel vm1, $0x10000, v1;
	[tilespmem:v2+s12+$0x0] =	vst.idx.add.s32.msk $0xffff, v9  }
0x69: {  	v2 =	vcvt.f32.s32 v10;
	v9 =	vtrunc.f32 v11;
	[tilespmem:v3+s12+$0x0] =	vst.idx.add.s32.msk $0xffff, v14  }
0x6a: {  	v3 =	vcvt.f32.s32 v9;
	v9 =	vtrunc.f32 v12;
	v10 =	vld [tilespmem:s19+$0x50]  }
0x6b: {  	v11 =	vld [tilespmem:s19+$0xFFFFFFA0];
	v2 =	vand.u32 $0x1FFF, v2;
	v9 =	vcvt.f32.s32 v9;
	v12 =	vtrunc.f32 v13  }
0x6c: {  	v13 =	vld [tilespmem:s17+$0xFFFFFFA0];
	v3 =	vand.u32 $0x1FFF, v3;
	v12 =	vcvt.f32.s32 v12;
	v8 =	vtrunc.f32 v8  }
0x6d: {  	v14 =	vld [tilespmem:s17+$0xFFFFFFB0];
	v9 =	vand.u32 $0x1FFF, v9;
	v8 =	vcvt.f32.s32 v8  }
0x6e: {  	v15 =	vld [tilespmem:s17+$0xFFFFFFC0];
	v12 =	vand.u32 $0x1FFF, v12  }
0x6f: {  	v16 =	vld [tilespmem:s17+$0xFFFFFFD0];
	v8 =	vand.u32 $0x1FFF, v8;
	v10 =	vtrunc.f32 v10  }
0x70: {  	v11 =	vtrunc.f32 v11;
	v17 =	vld [tilespmem:s17+$0xFFFFFFE0];
	v10 =	vcvt.f32.s32 v10  }
0x71: {  	v11 =	vcvt.f32.s32 v11;
	vm0 =	vlt.f32 v13, $5.000000000e-01;
	v13 =	vld [tilespmem:s17+$0xFFFFFFF0]  }
0x72: {  	v18 =	vsel vm0, $0x10000, v1;
	vm0 =	vlt.f32 v14, $5.000000000e-01;
	v14 =	vld [tilespmem:s17+$0x0];
	v10 =	vand.u32 $0x1FFF, v10  }
0x73: {  	v11 =	vand.u32 $0x1FFF, v11;
	v19 =	vsel vm0, $0x10000, v1;
	vm0 =	vlt.f32 v15, $5.000000000e-01;
	v15 =	vld [tilespmem:s17+$0x10]  }
0x74: {  	v20 =	vsel vm0, $0x10000, v1;
	vm0 =	vlt.f32 v16, $5.000000000e-01;
	v16 =	vld [tilespmem:s17+$0x30]  }
0x75: {  	v21 =	vsel vm0, $0x10000, v1;
	vm0 =	vlt.f32 v17, $5.000000000e-01;
	v17 =	vld [tilespmem:s17+$0x40]  }
0x76: {  	v22 =	vsel vm0, $0x10000, v1;
	vm0 =	vlt.f32 v13, $5.000000000e-01;
	v13 =	vld [tilespmem:s17+$0x50]  }
0x77: {  	[tilespmem:v4+s12+$0x0] =	vst.idx.add.s32.msk $0xffff, v19;
	v4 =	vsel vm0, $0x10000, v1;
	vm0 =	vlt.f32 v14, $5.000000000e-01  }
0x78: {  	[tilespmem:v11+s12+$0x0] =	vst.idx.add.s32.msk $0xffff, v18;
	v11 =	vsel vm0, $0x10000, v1;
	vm0 =	vlt.f32 v15, $5.000000000e-01  }
0x79: {  	[tilespmem:v5+s12+$0x0] =	vst.idx.add.s32.msk $0xffff, v20;
	v5 =	vsel vm0, $0x10000, v1;
	vm0 =	vlt.f32 v16, $5.000000000e-01  }
0x7a: {  	[tilespmem:v6+s12+$0x0] =	vst.idx.add.s32.msk $0xffff, v21;
	v6 =	vsel vm0, $0x10000, v1;
	vm0 =	vlt.f32 v17, $5.000000000e-01  }
0x7b: {  	[tilespmem:v7+s12+$0x0] =	vst.idx.add.s32.msk $0xffff, v22;
	v7 =	vsel vm0, $0x10000, v1;
	vm0 =	vlt.f32 v13, $5.000000000e-01  }
0x7c: {  	[tilespmem:v2+s12+$0x0] =	vst.idx.add.s32.msk $0xffff, v4;
	v2 =	vsel vm0, $0x10000, v1  }
.Ltmp1:
0x7d: {  	[tilespmem:v3+s12+$0x0] =	vst.idx.add.s32.msk $0xffff, v11;
	(pc) =	sbr.rel @p1 .LBB2_4-.Ltmp1, $4  }
0x7e: {  	[tilespmem:v9+s12+$0x0] =	vst.idx.add.s32.msk $0xffff, v5  }
0x7f: {  	[tilespmem:v12+s12+$0x0] =	vst.idx.add.s32.msk $0xffff, v6  }
0x80: {  	[tilespmem:v8+s12+$0x0] =	vst.idx.add.s32.msk $0xffff, v7  }
0x81: {  	s20 =	sadd.s32 $0xD0, s20;
	s19 =	sadd.s32 $0xD0, s19;
	[tilespmem:v10+s12+$0x0] =	vst.idx.add.s32.msk $0xffff, v2  }
0x82: {  	v2 =	vld @!p0 [tilespmem:$0xC30];
	_ =	sdelay $0x4  }
0x83: {  	v2 =	vtrunc.f32 @!p0 v2  }
0x84: {  	v3 =	vld @!p0 [tilespmem:$0x18B0];
	v2 =	vcvt.f32.s32 @!p0 v2;
	_ =	sdelay $0x1  }
0x85: {  	v2 =	vand.u32 @!p0 $0x1FFF, v2;
	_ =	sdelay $0x2  }
0x86: {  	s16 =	sadd.s32 $0x1, s16;
	vm0 =	vlt.f32 @!p0 v3, $5.000000000e-01;
	v3 =	vimm.s32 @!p0 $0x1  }
0x87: {  	s17 =	simm.s32 @!p0 $0x1900;
	p1 =	sne.s32 s16, s8;
	v3 =	vsel @!p0 vm0, $0x10000, v3  }
.Ltmp2:
0x88: {  	[tilespmem:v2+s17+$0x0] =	vst.idx.add.s32.msk @!p0 $0xffff, v3;
	(pc) =	sbr.rel @p1 .LBB2_1-.Ltmp2, $4  }
0x89: {  	[hbm4b:s7+s13] =	stream.strided.scatter [tilespmem:s12], [sflag:$0x3], $0x2800, s14, s13, $0x38;
	[tilespmem:$0x4100] =	vst v63  }
0x8a: {  	_ =	swait.ge [sflag:s15], $0x2800  }
0x8b: {  	[sflag:s15] =	ssyncset.done $0x0  }
0x8c: {  	[sflag:s15] =	ssyncadd.s32 $0xFFFFD800  }
0x8d: {  	_ =	sfence.sel $0x180000  }
0x8e: {  	[bflag:$0x0] =	sbarrier.arrive $0xFFFF  }
0x8f: {  	p0 =	sne.s32 s0, $0x0;
	_ =	strace $0x90000047  }
0x90: {  	s0 =	sadd.s32 @!p0 $0x100000, s1;
	[bflag:$0x2] =	sbarrier.arrive $0xFFFF  }
0x91: {  	[sflag:s0] =	ssyncadd.tile.s32 @!p0 $0x1;
	_ =	shalt  }
.Lfunc_end2:
_tile_overlayer_lowered:
.L_overlay_start_2:
0x92: {  	(tag) =	ssettag $0x2  }
0x93: {  	s0 =	rddreg [dreg:$0x0];
	s2 =	stileid.u32  }
0x94: {  	s1 =	rddreg [dreg:$0x1];
	p0 =	sne.s32 s2, $0x0  }
0x95: {  	s3 =	rddreg [dreg:$0x2];
	[bflag:$0x3] =	sbarrier.arrive $0xFFFF;
	s2 =	simm.s32 @!p0 $0x1C03  }
0x96: {  	[timem:s3], [sflag:s2] =	dma.local @!p0 [hbm:s0], s1  }
0x97: {  	s0 =	simm.s32 @!p0 $0x3  }
0x98: {  	_ =	swait.ge @!p0 [sflag:s0], s1  }
0x99: {  	s1 =	ssub.s32 @!p0 $0x0, s1;
	[sflag:s0] =	ssyncset.done @!p0 $0x0  }
0x9a: {  	[sflag:s0] =	ssyncadd.s32 @!p0 s1  }
0x9b: {  	[bflag:$0x3] =	sbarrier.arrive $0xFFFF  }
0x9c: {  	_ =	shalt  }

</sc_bundles>
